<compile_context>
chip_gen: v7x
topology: tpu7x:2x2x1
jax: 0.10.2.dev20260603
libtpu: 0.0.44.dev20260713+nightly
codegen_flags: <defaults>
</compile_context>

<pallas_src>
import jax
import jax.numpy as jnp
from jax.experimental import pallas as pl

_IMAGE_SIZE = 224
_PATCH = 16
_C = 3
_HIDDEN = 768
_GRID = _IMAGE_SIZE // _PATCH
_NUM_PATCHES = _GRID * _GRID
_LEN_KEEP = 49
_KPAD = 64
_PVEC = _PATCH * _PATCH * _C
_G = 4


def _embed_kernel(nrow_ref, ncol_ref, x_ref, w_ref, pos_ref, b_ref, cls_ref,
                  pos0_ref, out_ref, mask_ref, ids_ref):
    nrow = nrow_ref[...]
    ncol = ncol_ref[...]
    xs = x_ref[...].astype(jnp.bfloat16)
    ii = jax.lax.broadcasted_iota(jnp.int32, (_G, _NUM_PATCHES, _NUM_PATCHES), 2)
    jj = jax.lax.broadcasted_iota(jnp.int32, (_G, _NUM_PATCHES, _NUM_PATCHES), 1)
    less = (nrow < ncol) | ((nrow == ncol) & (ii < jj))
    rank = jnp.sum(less.astype(jnp.int32), axis=2)
    ids_ref[:, 0, :] = rank
    mask_ref[:, 0, :] = (rank >= _LEN_KEEP).astype(jnp.float32)

    kio = jax.lax.broadcasted_iota(jnp.int32, (_G, _KPAD, _NUM_PATCHES), 1)
    P = (kio == rank[:, None, :]).astype(jnp.bfloat16)

    xk = jnp.concatenate(
        [jnp.dot(P[s], xs[s], preferred_element_type=jnp.float32).astype(jnp.bfloat16)
         for s in range(_G)], axis=0)
    del xs
    Ps = P.reshape(_G * _KPAD, _NUM_PATCHES)

    pos_aug = pos_ref[...] + b_ref[...]
    emb = (jnp.dot(xk, w_ref[...], preferred_element_type=jnp.float32)
           + jnp.dot(Ps, pos_aug, preferred_element_type=jnp.float32))
    cls_row = cls_ref[...] + pos0_ref[...]
    for s in range(_G):
        out_ref[s, 0, :] = cls_row[0]
        out_ref[s, 1:, :] = emb[s * _KPAD:s * _KPAD + _LEN_KEEP, :]


def kernel(pixel_values, noise, proj_W, proj_b, cls_token, pos_embed):
    B = pixel_values.shape[0]
    x = jnp.transpose(pixel_values, (0, 2, 3, 1))
    x = x.reshape(B, _GRID, _PATCH, _GRID, _PATCH, _C)
    x = jnp.transpose(x, (0, 1, 3, 2, 4, 5)).reshape(B, _NUM_PATCHES, _PVEC)
    Wm = proj_W.reshape(_PVEC, _HIDDEN).astype(jnp.bfloat16)
    pos_seq = pos_embed[0, 1:, :].astype(jnp.bfloat16)
    pos0 = pos_embed[:, 0, :]
    cls = cls_token.reshape(1, _HIDDEN)
    bias = proj_b.reshape(1, _HIDDEN).astype(jnp.bfloat16)
    noise_row = noise.reshape(B, 1, _NUM_PATCHES)
    noise_col = noise.reshape(B, _NUM_PATCHES, 1)

    out, mask, ids = pl.pallas_call(
        _embed_kernel,
        grid=(B // _G,),
        in_specs=[
            pl.BlockSpec((_G, 1, _NUM_PATCHES), lambda g: (g, 0, 0)),
            pl.BlockSpec((_G, _NUM_PATCHES, 1), lambda g: (g, 0, 0)),
            pl.BlockSpec((_G, _NUM_PATCHES, _PVEC), lambda g: (g, 0, 0)),
            pl.BlockSpec((_PVEC, _HIDDEN), lambda g: (0, 0)),
            pl.BlockSpec((_NUM_PATCHES, _HIDDEN), lambda g: (0, 0)),
            pl.BlockSpec((1, _HIDDEN), lambda g: (0, 0)),
            pl.BlockSpec((1, _HIDDEN), lambda g: (0, 0)),
            pl.BlockSpec((1, _HIDDEN), lambda g: (0, 0)),
        ],
        out_specs=[
            pl.BlockSpec((_G, 1 + _LEN_KEEP, _HIDDEN), lambda g: (g, 0, 0)),
            pl.BlockSpec((_G, 1, _NUM_PATCHES), lambda g: (g, 0, 0)),
            pl.BlockSpec((_G, 1, _NUM_PATCHES), lambda g: (g, 0, 0)),
        ],
        out_shape=[
            jax.ShapeDtypeStruct((B, 1 + _LEN_KEEP, _HIDDEN), jnp.float32),
            jax.ShapeDtypeStruct((B, 1, _NUM_PATCHES), jnp.float32),
            jax.ShapeDtypeStruct((B, 1, _NUM_PATCHES), jnp.int32),
        ],
    )(noise_row, noise_col, x, Wm, pos_seq, bias, cls, pos0)
    return (out, mask.reshape(B, _NUM_PATCHES), ids.reshape(B, _NUM_PATCHES))

# --- scband reference (transcript-rebuilt; emitter-appended) ---
"""Pipeline reference for scband-tfvi-tmaeembeddings-69569880260995 (READ-ONLY COPY).

The authoritative reference and input builder live on the scoring server;
editing this copy changes nothing except your own understanding.
"""

import jax, jax.numpy as jnp
import numpy as np

IMAGE_SIZE = 224
PATCH = 16
C = 3
HIDDEN = 768
MASK_RATIO = 0.75
GRID = IMAGE_SIZE // PATCH
NUM_PATCHES = GRID * GRID
BATCH = 64


def get_1d_sincos_pos_embed_from_grid(embed_dim, pos):
    omega = jnp.arange(embed_dim // 2, dtype=jnp.float32)
    omega = omega / (embed_dim / 2.0)
    omega = 1.0 / 10000 ** omega
    pos = pos.reshape(-1)
    out = jnp.einsum('m,d->md', pos, omega)
    return jnp.concatenate([jnp.sin(out), jnp.cos(out)], axis=1)


def get_2d_sincos_pos_embed(embed_dim, grid_size, add_cls_token=False):
    grid_h = jnp.arange(grid_size, dtype=jnp.float32)
    grid_w = jnp.arange(grid_size, dtype=jnp.float32)
    grid = jnp.stack(jnp.meshgrid(grid_w, grid_h), axis=0)
    grid = grid.reshape(2, 1, grid_size, grid_size)
    emb_h = get_1d_sincos_pos_embed_from_grid(embed_dim // 2, grid[0])
    emb_w = get_1d_sincos_pos_embed_from_grid(embed_dim // 2, grid[1])
    emb = jnp.concatenate([emb_h, emb_w], axis=1)
    if add_cls_token:
        emb = jnp.concatenate([jnp.zeros((1, embed_dim), dtype=jnp.float32), emb], axis=0)
    return emb


def setup_inputs(seed: int = 0) -> dict:
    key = jax.random.key(seed)
    k1, k2, k3, k4 = jax.random.split(key, 4)
    pixel_values = jax.random.normal(k1, (BATCH, C, IMAGE_SIZE, IMAGE_SIZE), dtype=jnp.float32)
    noise = jax.random.uniform(k2, (BATCH, NUM_PATCHES), dtype=jnp.float32)
    proj_W = jax.random.normal(k3, (PATCH, PATCH, C, HIDDEN), dtype=jnp.float32) * 0.02
    proj_b = jnp.zeros((HIDDEN,), dtype=jnp.float32)
    cls_token = jax.random.normal(k4, (1, 1, HIDDEN), dtype=jnp.float32) * 0.02
    pos_embed = get_2d_sincos_pos_embed(HIDDEN, GRID, add_cls_token=True)[None, ...]
    return {"pixel_values": pixel_values, "noise": noise, "proj_W": proj_W,
            "proj_b": proj_b, "cls_token": cls_token, "pos_embed": pos_embed}


def reference(pixel_values, noise, proj_W, proj_b, cls_token, pos_embed):
    B = pixel_values.shape[0]
    # NCHW -> NHWC, then patchify (equivalent to Conv2D kernel=stride=patch)
    x = jnp.transpose(pixel_values, (0, 2, 3, 1))
    x = x.reshape(B, GRID, PATCH, GRID, PATCH, C)
    x = jnp.transpose(x, (0, 1, 3, 2, 4, 5)).reshape(B, NUM_PATCHES, PATCH * PATCH * C)
    Wm = proj_W.reshape(PATCH * PATCH * C, HIDDEN)
    embeddings = x @ Wm + proj_b
    embeddings = embeddings + pos_embed[:, 1:, :]
    # random masking via argsort of noise
    len_keep = int(NUM_PATCHES * (1 - MASK_RATIO))
    ids_shuffle = jnp.argsort(noise, axis=1)
    ids_restore = jnp.argsort(ids_shuffle, axis=1)
    ids_keep = ids_shuffle[:, :len_keep]
    sequence_masked = jnp.take_along_axis(embeddings, ids_keep[:, :, None], axis=1)
    mask = jnp.concatenate([jnp.zeros((B, len_keep), dtype=jnp.float32),
                            jnp.ones((B, NUM_PATCHES - len_keep), dtype=jnp.float32)], axis=1)
    mask = jnp.take_along_axis(mask, ids_restore, axis=1)
    cls = cls_token + pos_embed[:, :1, :]
    cls = jnp.tile(cls, (B, 1, 1))
    out = jnp.concatenate([cls, sequence_masked], axis=1)
    return (out, mask, ids_restore)

if __name__ == "__main__":
    import jax
    _d = setup_inputs()
    print(jax.jit(kernel)(*tuple(_d.values())))

</pallas_src>

<mosaic_0001>
module attributes {stable_mosaic.version = 14 : i64} {
  func.func @_embed_kernel(%arg0: i32, %arg1: memref<4x1x196xf32, #tpu.memory_space<vmem>>, %arg2: memref<4x196x1xf32, #tpu.memory_space<vmem>>, %arg3: memref<4x196x768xf32, #tpu.memory_space<vmem>>, %arg4: memref<768x768xbf16, #tpu.memory_space<vmem>>, %arg5: memref<196x768xbf16, #tpu.memory_space<vmem>>, %arg6: memref<1x768xbf16, #tpu.memory_space<vmem>>, %arg7: memref<1x768xf32, #tpu.memory_space<vmem>>, %arg8: memref<1x768xf32, #tpu.memory_space<vmem>>, %arg9: memref<4x50x768xf32, #tpu.memory_space<vmem>>, %arg10: memref<4x1x196xf32, #tpu.memory_space<vmem>>, %arg11: memref<4x1x196xi32, #tpu.memory_space<vmem>>) attributes {dimension_semantics = [#tpu.dimension_semantics<arbitrary>], iteration_bounds = array<i64: 16>, scalar_prefetch = 0 : i64, scratch_operands = 0 : i64, tpu.core_type = #tpu.core_type<tc>, window_params = [{transform_indices = @transform_0, window_bounds = array<i64: 4, 1, 196>}, {transform_indices = @transform_1, window_bounds = array<i64: 4, 196, 1>}, {transform_indices = @transform_2, window_bounds = array<i64: 4, 196, 768>}, {pipeline_mode = #tpu.pipeline_mode<synchronous>, transform_indices = @transform_3, window_bounds = array<i64: 768, 768>}, {pipeline_mode = #tpu.pipeline_mode<synchronous>, transform_indices = @transform_4, window_bounds = array<i64: 196, 768>}, {pipeline_mode = #tpu.pipeline_mode<synchronous>, transform_indices = @transform_5, window_bounds = array<i64: 1, 768>}, {pipeline_mode = #tpu.pipeline_mode<synchronous>, transform_indices = @transform_6, window_bounds = array<i64: 1, 768>}, {pipeline_mode = #tpu.pipeline_mode<synchronous>, transform_indices = @transform_7, window_bounds = array<i64: 1, 768>}, {transform_indices = @transform_8, window_bounds = array<i64: 4, 50, 768>}, {transform_indices = @transform_9, window_bounds = array<i64: 4, 1, 196>}, {transform_indices = @transform_10, window_bounds = array<i64: 4, 1, 196>}]} {
    %get3A = arith.constant 0 : index
    %get3A_0 = arith.constant 0 : index
    %get3A_1 = arith.constant 0 : index
    %get3A_2 = vector.load %arg1[%get3A, %get3A_0, %get3A_1] : memref<4x1x196xf32, #tpu.memory_space<vmem>>, vector<4x1x196xf32>
    %get3A_3 = arith.constant 0 : index
    %get3A_4 = arith.constant 0 : index
    %get3A_5 = arith.constant 0 : index
    %get3A_6 = vector.load %arg2[%get3A_3, %get3A_4, %get3A_5] : memref<4x196x1xf32, #tpu.memory_space<vmem>>, vector<4x196x1xf32>
    %get3A_7 = arith.constant 0 : index
    %get3A_8 = arith.constant 0 : index
    %get3A_9 = arith.constant 0 : index
    %get3A_10 = vector.load %arg3[%get3A_7, %get3A_8, %get3A_9] : memref<4x196x768xf32, #tpu.memory_space<vmem>>, vector<4x196x768xf32>
    %convert_element_type3A = arith.truncf %get3A_10 : vector<4x196x768xf32> to vector<4x196x768xbf16>
    %iota3A = tpu.iota {dimensions = array<i32: 2>} : vector<4x196x196xi32>
    %iota3A_11 = tpu.iota {dimensions = array<i32: 1>} : vector<4x196x196xi32>
    %lt3A = vector.broadcast %get3A_2 : vector<4x1x196xf32> to vector<4x196x196xf32>
    %lt3A_12 = vector.broadcast %get3A_6 : vector<4x196x1xf32> to vector<4x196x196xf32>
    %lt3A_13 = arith.cmpf olt, %lt3A, %lt3A_12 : vector<4x196x196xf32>
    %eq3A = vector.broadcast %get3A_2 : vector<4x1x196xf32> to vector<4x196x196xf32>
    %eq3A_14 = vector.broadcast %get3A_6 : vector<4x196x1xf32> to vector<4x196x196xf32>
    %eq3A_15 = arith.cmpf oeq, %eq3A, %eq3A_14 : vector<4x196x196xf32>
    %lt3A_16 = arith.cmpi slt, %iota3A, %iota3A_11 : vector<4x196x196xi32>
    %and3A = arith.andi %eq3A_15, %lt3A_16 : vector<4x196x196xi1>
    %or3A = arith.ori %lt3A_13, %and3A : vector<4x196x196xi1>
    %convert_element_type3A_17 = arith.extui %or3A : vector<4x196x196xi1> to vector<4x196x196xi32>
    %reduce_sum3A = arith.constant dense<0> : vector<4x196xi32>
    %reduce_sum3A_18 = vector.multi_reduction <add>, %convert_element_type3A_17, %reduce_sum3A [2] : vector<4x196x196xi32> to vector<4x196xi32>
    %swap3A = arith.constant 0 : index
    %swap3A_19 = arith.constant 0 : index
    %swap3A_20 = arith.constant 0 : index
    %swap3A_21 = vector.load %arg11[%swap3A, %swap3A_19, %swap3A_20] : memref<4x1x196xi32, #tpu.memory_space<vmem>>, vector<4x1x196xi32>
    %swap3A_22 = vector.shape_cast %swap3A_21 : vector<4x1x196xi32> to vector<4x196xi32>
    %swap3A_23 = vector.shape_cast %reduce_sum3A_18 : vector<4x196xi32> to vector<4x1x196xi32>
    tpu.vector_store %arg11[%swap3A, %swap3A_19, %swap3A_20], %swap3A_23 {strides = array<i32>} : memref<4x1x196xi32, #tpu.memory_space<vmem>>, vector<4x1x196xi32>,
    %ge3A = arith.constant 49 : i32
    %ge3A_24 = vector.broadcast %ge3A : i32 to vector<4x196xi32>
    %ge3A_25 = arith.cmpi sge, %reduce_sum3A_18, %ge3A_24 : vector<4x196xi32>
    %convert_element_type3A_26 = arith.extui %ge3A_25 : vector<4x196xi1> to vector<4x196xi32>
    %convert_element_type3A_27 = arith.sitofp %convert_element_type3A_26 : vector<4x196xi32> to vector<4x196xf32>
    %swap3A_28 = arith.constant 0 : index
    %swap3A_29 = arith.constant 0 : index
    %swap3A_30 = arith.constant 0 : index
    %swap3A_31 = vector.load %arg10[%swap3A_28, %swap3A_29, %swap3A_30] : memref<4x1x196xf32, #tpu.memory_space<vmem>>, vector<4x1x196xf32>
    %swap3A_32 = vector.shape_cast %swap3A_31 : vector<4x1x196xf32> to vector<4x196xf32>
    %swap3A_33 = vector.shape_cast %convert_element_type3A_27 : vector<4x196xf32> to vector<4x1x196xf32>
    tpu.vector_store %arg10[%swap3A_28, %swap3A_29, %swap3A_30], %swap3A_33 {strides = array<i32>} : memref<4x1x196xf32, #tpu.memory_space<vmem>>, vector<4x1x196xf32>,
    %iota3A_34 = tpu.iota {dimensions = array<i32: 1>} : vector<4x64x196xi32>
    %broadcast_in_dim3A = vector.shape_cast %reduce_sum3A_18 : vector<4x196xi32> to vector<4x1x196xi32>
    %eq3A_35 = vector.broadcast %broadcast_in_dim3A : vector<4x1x196xi32> to vector<4x64x196xi32>
    %eq3A_36 = arith.cmpi eq, %iota3A_34, %eq3A_35 : vector<4x64x196xi32>
    %convert_element_type3A_37 = arith.extui %eq3A_36 : vector<4x64x196xi1> to vector<4x64x196xi32>
    %convert_element_type3A_38 = arith.sitofp %convert_element_type3A_37 : vector<4x64x196xi32> to vector<4x64x196xf32>
    %convert_element_type3A_39 = arith.truncf %convert_element_type3A_38 : vector<4x64x196xf32> to vector<4x64x196xbf16>
    %slice3A = vector.extract_strided_slice %convert_element_type3A_39 {offsets = [0, 0, 0], sizes = [1, 64, 196], strides = [1, 1, 1]} : vector<4x64x196xbf16> to vector<1x64x196xbf16>
    %squeeze3A = vector.shape_cast %slice3A : vector<1x64x196xbf16> to vector<64x196xbf16>
    %slice3A_40 = vector.extract_strided_slice %convert_element_type3A {offsets = [0, 0, 0], sizes = [1, 196, 768], strides = [1, 1, 1]} : vector<4x196x768xbf16> to vector<1x196x768xbf16>
    %squeeze3A_41 = vector.shape_cast %slice3A_40 : vector<1x196x768xbf16> to vector<196x768xbf16>
    %dot_general3A = arith.constant dense<0.000000e+00> : vector<64x768xf32>
    %dot_general3A_42 = tpu.matmul %squeeze3A, %squeeze3A_41, %dot_general3A {dimension_numbers = #tpu.dot_dimension_numbers<[1], [0], [0], [1], [0, 0, 1, 1], [], []>, transpose_lhs_hint = false} : vector<64x196xbf16>, vector<196x768xbf16>, vector<64x768xf32> -> vector<64x768xf32>
    %convert_element_type3A_43 = arith.truncf %dot_general3A_42 : vector<64x768xf32> to vector<64x768xbf16>
    %slice3A_44 = vector.extract_strided_slice %convert_element_type3A_39 {offsets = [1, 0, 0], sizes = [1, 64, 196], strides = [1, 1, 1]} : vector<4x64x196xbf16> to vector<1x64x196xbf16>
    %squeeze3A_45 = vector.shape_cast %slice3A_44 : vector<1x64x196xbf16> to vector<64x196xbf16>
    %slice3A_46 = vector.extract_strided_slice %convert_element_type3A {offsets = [1, 0, 0], sizes = [1, 196, 768], strides = [1, 1, 1]} : vector<4x196x768xbf16> to vector<1x196x768xbf16>
    %squeeze3A_47 = vector.shape_cast %slice3A_46 : vector<1x196x768xbf16> to vector<196x768xbf16>
    %dot_general3A_48 = arith.constant dense<0.000000e+00> : vector<64x768xf32>
    %dot_general3A_49 = tpu.matmul %squeeze3A_45, %squeeze3A_47, %dot_general3A_48 {dimension_numbers = #tpu.dot_dimension_numbers<[1], [0], [0], [1], [0, 0, 1, 1], [], []>, transpose_lhs_hint = false} : vector<64x196xbf16>, vector<196x768xbf16>, vector<64x768xf32> -> vector<64x768xf32>
    %convert_element_type3A_50 = arith.truncf %dot_general3A_49 : vector<64x768xf32> to vector<64x768xbf16>
    %slice3A_51 = vector.extract_strided_slice %convert_element_type3A_39 {offsets = [2, 0, 0], sizes = [1, 64, 196], strides = [1, 1, 1]} : vector<4x64x196xbf16> to vector<1x64x196xbf16>
    %squeeze3A_52 = vector.shape_cast %slice3A_51 : vector<1x64x196xbf16> to vector<64x196xbf16>
    %slice3A_53 = vector.extract_strided_slice %convert_element_type3A {offsets = [2, 0, 0], sizes = [1, 196, 768], strides = [1, 1, 1]} : vector<4x196x768xbf16> to vector<1x196x768xbf16>
    %squeeze3A_54 = vector.shape_cast %slice3A_53 : vector<1x196x768xbf16> to vector<196x768xbf16>
    %dot_general3A_55 = arith.constant dense<0.000000e+00> : vector<64x768xf32>
    %dot_general3A_56 = tpu.matmul %squeeze3A_52, %squeeze3A_54, %dot_general3A_55 {dimension_numbers = #tpu.dot_dimension_numbers<[1], [0], [0], [1], [0, 0, 1, 1], [], []>, transpose_lhs_hint = false} : vector<64x196xbf16>, vector<196x768xbf16>, vector<64x768xf32> -> vector<64x768xf32>
    %convert_element_type3A_57 = arith.truncf %dot_general3A_56 : vector<64x768xf32> to vector<64x768xbf16>
    %slice3A_58 = vector.extract_strided_slice %convert_element_type3A_39 {offsets = [3, 0, 0], sizes = [1, 64, 196], strides = [1, 1, 1]} : vector<4x64x196xbf16> to vector<1x64x196xbf16>
    %squeeze3A_59 = vector.shape_cast %slice3A_58 : vector<1x64x196xbf16> to vector<64x196xbf16>
    %slice3A_60 = vector.extract_strided_slice %convert_element_type3A {offsets = [3, 0, 0], sizes = [1, 196, 768], strides = [1, 1, 1]} : vector<4x196x768xbf16> to vector<1x196x768xbf16>
    %squeeze3A_61 = vector.shape_cast %slice3A_60 : vector<1x196x768xbf16> to vector<196x768xbf16>
    %dot_general3A_62 = arith.constant dense<0.000000e+00> : vector<64x768xf32>
    %dot_general3A_63 = tpu.matmul %squeeze3A_59, %squeeze3A_61, %dot_general3A_62 {dimension_numbers = #tpu.dot_dimension_numbers<[1], [0], [0], [1], [0, 0, 1, 1], [], []>, transpose_lhs_hint = false} : vector<64x196xbf16>, vector<196x768xbf16>, vector<64x768xf32> -> vector<64x768xf32>
    %convert_element_type3A_64 = arith.truncf %dot_general3A_63 : vector<64x768xf32> to vector<64x768xbf16>
    %concatenate3A = tpu.concatenate %convert_element_type3A_43, %convert_element_type3A_50, %convert_element_type3A_57, %convert_element_type3A_64 in 0 : vector<64x768xbf16>, vector<64x768xbf16>, vector<64x768xbf16>, vector<64x768xbf16> -> vector<256x768xbf16>
    %reshape3A = vector.shape_cast %convert_element_type3A_39 : vector<4x64x196xbf16> to vector<256x196xbf16>
    %get3A_65 = arith.constant 0 : index
    %get3A_66 = arith.constant 0 : index
    %get3A_67 = vector.load %arg5[%get3A_65, %get3A_66] : memref<196x768xbf16, #tpu.memory_space<vmem>>, vector<196x768xbf16>
    %get3A_68 = arith.constant 0 : index
    %get3A_69 = arith.constant 0 : index
    %get3A_70 = vector.load %arg6[%get3A_68, %get3A_69] : memref<1x768xbf16, #tpu.memory_space<vmem>>, vector<1x768xbf16>
    %add3A = vector.broadcast %get3A_70 : vector<1x768xbf16> to vector<196x768xbf16>
    %add3A_71 = arith.addf %get3A_67, %add3A : vector<196x768xbf16>
    %get3A_72 = arith.constant 0 : index
    %get3A_73 = arith.constant 0 : index
    %get3A_74 = vector.load %arg4[%get3A_72, %get3A_73] : memref<768x768xbf16, #tpu.memory_space<vmem>>, vector<768x768xbf16>
    %dot_general3A_75 = arith.constant dense<0.000000e+00> : vector<256x768xf32>
    %dot_general3A_76 = tpu.matmul %concatenate3A, %get3A_74, %dot_general3A_75 {dimension_numbers = #tpu.dot_dimension_numbers<[1], [0], [0], [1], [0, 0, 1, 1], [], []>, transpose_lhs_hint = false} : vector<256x768xbf16>, vector<768x768xbf16>, vector<256x768xf32> -> vector<256x768xf32>
    %dot_general3A_77 = arith.constant dense<0.000000e+00> : vector<256x768xf32>
    %dot_general3A_78 = tpu.matmul %reshape3A, %add3A_71, %dot_general3A_77 {dimension_numbers = #tpu.dot_dimension_numbers<[1], [0], [0], [1], [0, 0, 1, 1], [], []>, transpose_lhs_hint = false} : vector<256x196xbf16>, vector<196x768xbf16>, vector<256x768xf32> -> vector<256x768xf32>
    %add3A_79 = arith.addf %dot_general3A_76, %dot_general3A_78 : vector<256x768xf32>
    %get3A_80 = arith.constant 0 : index
    %get3A_81 = arith.constant 0 : index
    %get3A_82 = vector.load %arg7[%get3A_80, %get3A_81] : memref<1x768xf32, #tpu.memory_space<vmem>>, vector<1x768xf32>
    %get3A_83 = arith.constant 0 : index
    %get3A_84 = arith.constant 0 : index
    %get3A_85 = vector.load %arg8[%get3A_83, %get3A_84] : memref<1x768xf32, #tpu.memory_space<vmem>>, vector<1x768xf32>
    %add3A_86 = arith.addf %get3A_82, %get3A_85 : vector<1x768xf32>
    %squeeze3A_87 = vector.shape_cast %add3A_86 : vector<1x768xf32> to vector<768xf32>
    %swap3A_88 = arith.constant 0 : index
    %swap3A_89 = arith.constant 0 : index
    %swap3A_90 = arith.constant 0 : index
    %swap3A_91 = vector.load %arg9[%swap3A_88, %swap3A_89, %swap3A_90] : memref<4x50x768xf32, #tpu.memory_space<vmem>>, vector<1x1x768xf32>
    %swap3A_92 = vector.shape_cast %swap3A_91 : vector<1x1x768xf32> to vector<768xf32>
    %swap3A_93 = vector.shape_cast %squeeze3A_87 : vector<768xf32> to vector<1x1x768xf32>
    tpu.vector_store %arg9[%swap3A_88, %swap3A_89, %swap3A_90], %swap3A_93 {strides = array<i32>} : memref<4x50x768xf32, #tpu.memory_space<vmem>>, vector<1x1x768xf32>,
    %slice3A_94 = vector.extract_strided_slice %add3A_79 {offsets = [0, 0], sizes = [49, 768], strides = [1, 1]} : vector<256x768xf32> to vector<49x768xf32>
    %swap3A_95 = arith.constant 0 : index
    %swap3A_96 = arith.constant 1 : index
    %swap3A_97 = arith.constant 0 : index
    %swap3A_98 = vector.load %arg9[%swap3A_95, %swap3A_96, %swap3A_97] : memref<4x50x768xf32, #tpu.memory_space<vmem>>, vector<1x49x768xf32>
    %swap3A_99 = vector.shape_cast %swap3A_98 : vector<1x49x768xf32> to vector<49x768xf32>
    %swap3A_100 = vector.shape_cast %slice3A_94 : vector<49x768xf32> to vector<1x49x768xf32>
    tpu.vector_store %arg9[%swap3A_95, %swap3A_96, %swap3A_97], %swap3A_100 {strides = array<i32>} : memref<4x50x768xf32, #tpu.memory_space<vmem>>, vector<1x49x768xf32>,
    %squeeze3A_101 = vector.shape_cast %add3A_86 : vector<1x768xf32> to vector<768xf32>
    %swap3A_102 = arith.constant 1 : index
    %swap3A_103 = arith.constant 0 : index
    %swap3A_104 = arith.constant 0 : index
    %swap3A_105 = vector.load %arg9[%swap3A_102, %swap3A_103, %swap3A_104] : memref<4x50x768xf32, #tpu.memory_space<vmem>>, vector<1x1x768xf32>
    %swap3A_106 = vector.shape_cast %swap3A_105 : vector<1x1x768xf32> to vector<768xf32>
    %swap3A_107 = vector.shape_cast %squeeze3A_101 : vector<768xf32> to vector<1x1x768xf32>
    tpu.vector_store %arg9[%swap3A_102, %swap3A_103, %swap3A_104], %swap3A_107 {strides = array<i32>} : memref<4x50x768xf32, #tpu.memory_space<vmem>>, vector<1x1x768xf32>,
    %slice3A_108 = vector.extract_strided_slice %add3A_79 {offsets = [64, 0], sizes = [49, 768], strides = [1, 1]} : vector<256x768xf32> to vector<49x768xf32>
    %swap3A_109 = arith.constant 1 : index
    %swap3A_110 = arith.constant 1 : index
    %swap3A_111 = arith.constant 0 : index
    %swap3A_112 = vector.load %arg9[%swap3A_109, %swap3A_110, %swap3A_111] : memref<4x50x768xf32, #tpu.memory_space<vmem>>, vector<1x49x768xf32>
    %swap3A_113 = vector.shape_cast %swap3A_112 : vector<1x49x768xf32> to vector<49x768xf32>
    %swap3A_114 = vector.shape_cast %slice3A_108 : vector<49x768xf32> to vector<1x49x768xf32>
    tpu.vector_store %arg9[%swap3A_109, %swap3A_110, %swap3A_111], %swap3A_114 {strides = array<i32>} : memref<4x50x768xf32, #tpu.memory_space<vmem>>, vector<1x49x768xf32>,
    %squeeze3A_115 = vector.shape_cast %add3A_86 : vector<1x768xf32> to vector<768xf32>
    %swap3A_116 = arith.constant 2 : index
    %swap3A_117 = arith.constant 0 : index
    %swap3A_118 = arith.constant 0 : index
    %swap3A_119 = vector.load %arg9[%swap3A_116, %swap3A_117, %swap3A_118] : memref<4x50x768xf32, #tpu.memory_space<vmem>>, vector<1x1x768xf32>
    %swap3A_120 = vector.shape_cast %swap3A_119 : vector<1x1x768xf32> to vector<768xf32>
    %swap3A_121 = vector.shape_cast %squeeze3A_115 : vector<768xf32> to vector<1x1x768xf32>
    tpu.vector_store %arg9[%swap3A_116, %swap3A_117, %swap3A_118], %swap3A_121 {strides = array<i32>} : memref<4x50x768xf32, #tpu.memory_space<vmem>>, vector<1x1x768xf32>,
    %slice3A_122 = vector.extract_strided_slice %add3A_79 {offsets = [128, 0], sizes = [49, 768], strides = [1, 1]} : vector<256x768xf32> to vector<49x768xf32>
    %swap3A_123 = arith.constant 2 : index
    %swap3A_124 = arith.constant 1 : index
    %swap3A_125 = arith.constant 0 : index
    %swap3A_126 = vector.load %arg9[%swap3A_123, %swap3A_124, %swap3A_125] : memref<4x50x768xf32, #tpu.memory_space<vmem>>, vector<1x49x768xf32>
    %swap3A_127 = vector.shape_cast %swap3A_126 : vector<1x49x768xf32> to vector<49x768xf32>
    %swap3A_128 = vector.shape_cast %slice3A_122 : vector<49x768xf32> to vector<1x49x768xf32>
    tpu.vector_store %arg9[%swap3A_123, %swap3A_124, %swap3A_125], %swap3A_128 {strides = array<i32>} : memref<4x50x768xf32, #tpu.memory_space<vmem>>, vector<1x49x768xf32>,
    %squeeze3A_129 = vector.shape_cast %add3A_86 : vector<1x768xf32> to vector<768xf32>
    %swap3A_130 = arith.constant 3 : index
    %swap3A_131 = arith.constant 0 : index
    %swap3A_132 = arith.constant 0 : index
    %swap3A_133 = vector.load %arg9[%swap3A_130, %swap3A_131, %swap3A_132] : memref<4x50x768xf32, #tpu.memory_space<vmem>>, vector<1x1x768xf32>
    %swap3A_134 = vector.shape_cast %swap3A_133 : vector<1x1x768xf32> to vector<768xf32>
    %swap3A_135 = vector.shape_cast %squeeze3A_129 : vector<768xf32> to vector<1x1x768xf32>
    tpu.vector_store %arg9[%swap3A_130, %swap3A_131, %swap3A_132], %swap3A_135 {strides = array<i32>} : memref<4x50x768xf32, #tpu.memory_space<vmem>>, vector<1x1x768xf32>,
    %slice3A_136 = vector.extract_strided_slice %add3A_79 {offsets = [192, 0], sizes = [49, 768], strides = [1, 1]} : vector<256x768xf32> to vector<49x768xf32>
    %swap3A_137 = arith.constant 3 : index
    %swap3A_138 = arith.constant 1 : index
    %swap3A_139 = arith.constant 0 : index
    %swap3A_140 = vector.load %arg9[%swap3A_137, %swap3A_138, %swap3A_139] : memref<4x50x768xf32, #tpu.memory_space<vmem>>, vector<1x49x768xf32>
    %swap3A_141 = vector.shape_cast %swap3A_140 : vector<1x49x768xf32> to vector<49x768xf32>
    %swap3A_142 = vector.shape_cast %slice3A_136 : vector<49x768xf32> to vector<1x49x768xf32>
    tpu.vector_store %arg9[%swap3A_137, %swap3A_138, %swap3A_139], %swap3A_142 {strides = array<i32>} : memref<4x50x768xf32, #tpu.memory_space<vmem>>, vector<1x49x768xf32>,
    return
  }
  func.func @transform_0(%arg0: i32) -> (i32, i32, i32) {
    %c0_i32 = arith.constant 0 : i32
    %c0_i32_0 = arith.constant 0 : i32
    %c0_i32_1 = arith.constant 0 : i32
    return %arg0, %c0_i32, %c0_i32_0 : i32, i32, i32
  }
  func.func @transform_1(%arg0: i32) -> (i32, i32, i32) {
    %c0_i32 = arith.constant 0 : i32
    %c0_i32_0 = arith.constant 0 : i32
    %c0_i32_1 = arith.constant 0 : i32
    return %arg0, %c0_i32, %c0_i32_0 : i32, i32, i32
  }
  func.func @transform_2(%arg0: i32) -> (i32, i32, i32) {
    %c0_i32 = arith.constant 0 : i32
    %c0_i32_0 = arith.constant 0 : i32
    %c0_i32_1 = arith.constant 0 : i32
    return %arg0, %c0_i32, %c0_i32_0 : i32, i32, i32
  }
  func.func @transform_3(%arg0: i32) -> (i32, i32) {
    %c0_i32 = arith.constant 0 : i32
    %c0_i32_0 = arith.constant 0 : i32
    %c0_i32_1 = arith.constant 0 : i32
    return %c0_i32, %c0_i32_0 : i32, i32
  }
  func.func @transform_4(%arg0: i32) -> (i32, i32) {
    %c0_i32 = arith.constant 0 : i32
    %c0_i32_0 = arith.constant 0 : i32
    %c0_i32_1 = arith.constant 0 : i32
    return %c0_i32, %c0_i32_0 : i32, i32
  }
  func.func @transform_5(%arg0: i32) -> (i32, i32) {
    %c0_i32 = arith.constant 0 : i32
    %c0_i32_0 = arith.constant 0 : i32
    %c0_i32_1 = arith.constant 0 : i32
    return %c0_i32, %c0_i32_0 : i32, i32
  }
  func.func @transform_6(%arg0: i32) -> (i32, i32) {
    %c0_i32 = arith.constant 0 : i32
    %c0_i32_0 = arith.constant 0 : i32
    %c0_i32_1 = arith.constant 0 : i32
    return %c0_i32, %c0_i32_0 : i32, i32
  }
  func.func @transform_7(%arg0: i32) -> (i32, i32) {
    %c0_i32 = arith.constant 0 : i32
    %c0_i32_0 = arith.constant 0 : i32
    %c0_i32_1 = arith.constant 0 : i32
    return %c0_i32, %c0_i32_0 : i32, i32
  }
  func.func @transform_8(%arg0: i32) -> (i32, i32, i32) {
    %c0_i32 = arith.constant 0 : i32
    %c0_i32_0 = arith.constant 0 : i32
    %c0_i32_1 = arith.constant 0 : i32
    return %arg0, %c0_i32, %c0_i32_0 : i32, i32, i32
  }
  func.func @transform_9(%arg0: i32) -> (i32, i32, i32) {
    %c0_i32 = arith.constant 0 : i32
    %c0_i32_0 = arith.constant 0 : i32
    %c0_i32_1 = arith.constant 0 : i32
    return %arg0, %c0_i32, %c0_i32_0 : i32, i32, i32
  }
  func.func @transform_10(%arg0: i32) -> (i32, i32, i32) {
    %c0_i32 = arith.constant 0 : i32
    %c0_i32_0 = arith.constant 0 : i32
    %c0_i32_1 = arith.constant 0 : i32
    return %arg0, %c0_i32, %c0_i32_0 : i32, i32, i32
  }
}

</mosaic_0001>

<sc_bundles>
// kernel: sparse-core-data-format-call.cloned.1.call-start
scs
called_computation_lowered:
.L_overlay_start_0:
0x0: {  	s1 =	sld [smem:$0x3FD9]  }
0x1: {  	s2 =	sld [smem:$0x3FFE];
	_ =	sdelay $0x1  }
0x2: {  	s3 =	srdreg.scid  }
0x3: {  	s0 =	sand.u32 $0x1, s3  }
0x4: {  	s17 =	sshll.u32 s0, $0xA;
	s1 =	sadd.s32 s2, s1  }
0x5: {  	s1 =	sadd.s32 s1, s17  }
0x6: {  	[smem:$0x3FC2] =	sst s1  }
0x7: {  	_ = 	snop  }
0x8: {  	(tm) =	ssettm $0x1  }
0x9: {  	s18 =	sld [smem:$0x3FFB];
	_ =	sdelay $0x3  }
0xa: {  	_ =	strace s18  }
0xb: {  	s1 =	sld [smem:$0x3FFC];
	_ =	sdelay $0x3  }
0xc: {  	_ =	strace s1  }
0xd: {  	s1 =	sld [smem:$0x3FFD];
	_ =	sdelay $0x3  }
0xe: {  	_ =	strace s1  }
0xf: {  	_ =	strace $0x8FFFFFFF  }
0x10: {  	s19 =	sld [smem:$0x3FDB];
	_ =	sdelay $0x1  }
0x11: {  	s20 =	simm.s32 $_scs_section_size  }
0x12: {  	s4 =	simm.s32 $_size__tile_overlayer_lowered;
	s5 =	simm.s32 $_tile_overlayer_lowered  }
0x13: {  	s23 =	simm.s32 $0x1BFF;
	s22 =	sshll.u32 s5, $0x1;
	s1 =	sadd.s32 s20, s19  }
0x14: {  	s6 =	simm.s32 $0x0;
	s21 =	sshll.u32 s4, $0x1;
	s4 =	sadd.s32 s22, s1  }
0x15: {  	[timem:s6], [sflag:s23] =	dma.local [hbm:s4], s21  }
0x16: {  	_ =	swait.ge [sflag:s23], s21  }
0x17: {  	s2 =	ssub.s32 $0x0, s21;
	[sflag:s23] =	ssyncset.done $0x0  }
0x18: {  	[sflag:s23] =	ssyncadd.s32 s2;
	_ =	sdelay $0x1  }
0x19: {  	s24 =	simm.s32 $0x1B8B  }
0x1a: {  	_ =	swait.ge [sflag:s24], $0x1  }
0x1b: {  	[sflag:s24] =	ssyncset.done $0x0  }
0x1c: {  	s26 =	simm.s32 $0x1B8E;
	s25 =	sld [smem:$0x3FFE];
	[sflag:s24] =	ssyncadd.s32 $0xFFFFFFFF  }
0x1d: {  	s27 =	simm.s32 $execute0_lowered;
	[smem:$0x3FD2] =	sst s26  }
0x1e: {  	s4 =	sshll.u32 s27, $0x1;
	_ =	strace $0x80000046;
	[dreg:$0x1] =	wrdreg $0xFFFFFFFF  }
0x1f: {  	s28 =	simm.s32 $_size_execute0_lowered;
	s1 =	sadd.s32 s1, s4;
	[dreg:$0x0] =	wrdreg $0x0  }
0x20: {  	s4 =	sshll.u32 s28, $0x1;
	[dreg:$0x2] =	wrdreg s1  }
0x21: {  	[dreg:$0x3] =	wrdreg s4  }
0x22: {  	[dreg:$0x4] =	wrdreg $0xC0  }
0x23: {  	_ =	task [dreg:s6], $0x5FFFF  }
0x24: {  	[dreg:$0x1] =	wrdreg $0xFFFFFFFF  }
0x25: {  	[dreg:$0x0] =	wrdreg $0x60  }
0x26: {  	[dreg:$0x2] =	wrdreg s25  }
0x27: {  	[dreg:$0x3] =	wrdreg $0x9  }
0x28: {  	_ =	task.clear_ibuf [dreg:s6], $0x4FFFF;
	_ =	strace $0x90000046  }
0x29: {  	s29 =	simm.s32 $0x9;
	_ =	strace $0x80000048  }
0x2a: {  	_ =	swait.ge [sflag:s29], $0x1  }
0x2b: {  	[sflag:s29] =	ssyncadd.s32 $0xFFFFFFFF  }
0x2c: {  	_ =	strace $0x90000048  }
0x2d: {  	_ =	sfence  }
0x2e: {  	s30 =	sld [smem:$0x0];
	_ =	sdelay $0x2  }
0x2f: {  	s31 =	sshll.u32 s3, $0xD;
	s3 =	sshrl.u32 s3, $0x2  }
0x30: {  	s2 =	sand.u32 $0x4000, s31;
	s1 =	sadd.s32 s3, s30  }
0x31: {  	s0 =	sor.u32 s2, s0;
	s1 =	sshll.u32 s1, $0x11  }
0x32: {  	s0 =	sor.u32 s1, s0  }
0x33: {  	s0 =	sadd.s32 $0x8F2B, s0  }
0x34: {  	[sflag:s0] =	ssyncadd.remote.s32 $0x1  }
0x35: {  	_ =	sfence.sel $0xFFFF  }
0x36: {  	[dreg:$0x0] =	wrdreg $0xFFFFFFFF;
	(pc) =	sbr.abs _section_cstart, $3  }
0x37: {  	[dreg:$0x1] =	wrdreg $0xFFFFFFFF  }
0x38: {  	_ =	task.clear_ibuf [dreg:s6], $0x2FFFF;
	_ =	strace $0x9FFFFFFF  }
0x39: {  	(tm) =	ssettm $0x7FFFFFFF  }
tec
execute0_lowered:
.L_overlay_start_1:
0x0: {  	(tag) =	ssettag $0x1  }
0x1: {  	s1 =	stileid.u32  }
0x2: {  	s0 =	srdreg.scid;
	s11 =	rddreg [dreg:$0x0]  }
0x3: {  	_ =	strace $0x80000047;
	s21 =	simm.s32 $0x2;
	s31 =	simm.s32 $0x0  }
0x4: {  	s28 =	simm.s32 $0x0;
	s29 =	stileid.u32;
	s30 =	simm.s32 $0x0  }
0x5: {  	s1 =	ssub.s32 $0xE, s1;
	s2 =	sand.u32 $0x1, s0;
	s19 =	sadd.s32 $0x1000, s11  }
0x6: {  	s20 =	sadd.s32 $0x24D000, s11;
	s22 =	sadd.s32 $0x3A00, s11;
	s23 =	sadd.s32 $0x6400, s11  }
0x7: {  	s24 =	sadd.s32 $0x8E00, s11;
	s25 =	sadd.s32 $0xB800, s11;
	s26 =	sadd.s32 $0xE200, s11  }
0x8: {  	s12 =	sadd.s32 $0x10C00, s11;
	s13 =	sadd.s32 $0x13600, s11;
	s14 =	sadd.s32 $0x16000, s11  }
0x9: {  	s15 =	sadd.s32 $0x18A00, s11;
	s16 =	sadd.s32 $0x1B400, s11;
	[dreg:$0x2] =	wrdreg s19  }
0xa: {  	s17 =	sadd.s32 $0x1DE00, s11;
	s18 =	sadd.s32 $0x20800, s11;
	[dreg:$0x3] =	wrdreg s20  }
0xb: {  	s0 =	simm.s32 $0x0;
	p0 =	sgt.s32 s1, $0x0;
	[dreg:$0x4] =	wrdreg s22  }
0xc: {  	s3 =	ssub.s32 $0xE, s2;
	[dreg:$0x5] =	wrdreg s23;
	s1 =	simm.s32 @!p0 $0x0  }
0xd: {  	[dreg:$0x6] =	wrdreg s24;
	s4 =	sshrl.u32 s3, $0x1;
	s1 =	sadd.s32 $0xF, s1  }
0xe: {  	[dreg:$0x7] =	wrdreg s25;
	s3 =	ssub.s32 s3, s4;
	s1 =	sshrl.u32 s1, $0x4  }
0xf: {  	[dreg:$0x8] =	wrdreg s26;
	s19 =	sadd.s32 $0x23200, s11;
	s1 =	smul.u32 s3, s1  }
.Ltmp0:
0x10: {  	s20 =	sadd.s32 $0x25C00, s11;
	s23 =	simm.s32 $0x40;
	(pc) =	sbr.rel .LBB1_1-.Ltmp0, $4  }
0x11: {  	s24 =	simm.s32 $0x80;
	s25 =	simm.s32 $0x0;
	s4 =	simm.s32 $0x1  }
0x12: {  	s26 =	simm.s32 $0x0;
	[sflag:s4] =	ssyncpa.u1 $0x0;
	s6 =	smul.u32 $0x3, s1  }
0x13: {  	s27 =	smov.u32 s2;
	p0 =	por $0x0, $0x0;
	[sflag:s21] =	ssyncpa.u1 $0x0  }
0x14: {  	s21 =	sadd.s32 $0x28600, s11;
	s1 =	simm.s32 $0x0;
	s22 =	sadd.s32 $0x1, s6  }
.LBB1_9:
0x15: {  	s3 =	sadd.s32 $0x2, s27  }
0x16: {  	s0 =	simm.s32 $0x1;
	p2 =	sgt.s32 s3, $0xD  }
0x17: {  	s0 =	simm.s32 @!p2 $0x0  }
0x18: {  	s5 =	sadd.s32 s0, s26  }
0x19: {  	s7 =	smov.u32 s28;
	s0 =	sadd.s32 $0x10, s28;
	p3 =	sgt.s32 s5, $0x2  }
0x1a: {  	s7 =	smov.u32 @p3 s0  }
0x1b: {  	s8 =	smov.u32 s29;
	s0 =	sadd.s32 $0x10, s29;
	p4 =	sgt.s32 s7, $0xF  }
0x1c: {  	p1 =	slt.u32 s30, $0x2;
	s31 =	smov.u32 s27;
	s8 =	smov.u32 @p4 s0  }
0x1d: {  	s3 =	smov.u32 @p2 s2;
	s0 =	stileid.u32;
	p2 =	sgt.s32 s8, $0xD  }
0x1e: {  	s9 =	simm.s32 @!p1 $0x2;
	s8 =	smov.u32 @p2 s0;
	p2 =	sne.s32 s30, s22  }
.Ltmp1:
0x1f: {  	s1 =	smov.u32 s26;
	_ =	swait.ge @!p1 [sflag:s9], $0x4000;
	(pc) =	sbr.rel @!p2 .LBB1_10-.Ltmp1, $4  }
0x20: {  	s25 =	smov.u32 s28;
	p0 =	por !p0, !p0;
	[sflag:s9] =	ssyncset.done @!p1 $0x0  }
0x21: {  	s27 =	smov.u32 s3;
	s5 =	simm.s32 @p3 $0x0;
	s7 =	simm.s32 @p4 $0x0  }
0x22: {  	[sflag:s9] =	ssyncadd.s32 @!p1 $0xFFFFC000;
	s26 =	smov.u32 s5;
	s28 =	smov.u32 s7  }
0x23: {  	s30 =	sadd.s32 $0x1, s30;
	s0 =	smov.u32 s29;
	s29 =	smov.u32 s8  }
.LBB1_1:
0x24: {  	p1 =	sge.u32 s30, s6  }
.Ltmp2:
0x25: {  	_ = 	snop;
	(pc) =	sbr.rel @p1 .LBB1_3-.Ltmp2, $1  }
0x26: {  	_ =	sdelay $0x3  }
0x27: {  	s3 =	smul.u32 $0x2A000, s29  }
0x28: {  	s5 =	smul.u32 $0x2A00, s28;
	s8 =	rddreg [dreg:$0x2]  }
0x29: {  	s7 =	smul.u32 $0xE00, s26;
	s8 =	sadd.s32 s8, s3  }
0x2a: {  	s9 =	sxor.u32 $0xFFFFFFFF, s30;
	s10 =	sadd.s32 s5, s8  }
0x2b: {  	s9 =	sshll.u32 s9, $0xE;
	s8 =	sshll.u32 s27, $0x8;
	s10 =	sadd.s32 s7, s10  }
0x2c: {  	s11 =	rddreg [dreg:$0x4];
	s9 =	sand.u32 $0x4000, s9;
	s10 =	sadd.s32 s8, s10  }
0x2d: {  	[tilespmem:s9], [sflag:$0x1] =	stream.strided.gather [hbm4b:s10+s23], $0x400, s24, s23, $0x38;
	[tilespmem:$0x10000] =	vst v63  }
0x2e: {  	s10 =	sadd.s32 s3, s11  }
0x2f: {  	s10 =	sadd.s32 s5, s10  }
0x30: {  	s10 =	sadd.s32 s7, s10  }
0x31: {  	s11 =	sor.u32 $0x400, s9;
	s10 =	sadd.s32 s8, s10  }
0x32: {  	[tilespmem:s11], [sflag:$0x1] =	stream.strided.gather [hbm4b:s10+s23], $0x400, s24, s23, $0x38;
	[tilespmem:$0x10000] =	vst v63  }
0x33: {  	s11 =	rddreg [dreg:$0x5]  }
0x34: {  	s10 =	sadd.s32 s3, s11  }
0x35: {  	s10 =	sadd.s32 s5, s10  }
0x36: {  	s10 =	sadd.s32 s7, s10  }
0x37: {  	s11 =	sor.u32 $0x800, s9;
	s10 =	sadd.s32 s8, s10  }
0x38: {  	[tilespmem:s11], [sflag:$0x1] =	stream.strided.gather [hbm4b:s10+s23], $0x400, s24, s23, $0x38;
	[tilespmem:$0x10000] =	vst v63  }
0x39: {  	s11 =	rddreg [dreg:$0x6]  }
0x3a: {  	s10 =	sadd.s32 s3, s11  }
0x3b: {  	s10 =	sadd.s32 s5, s10  }
0x3c: {  	s10 =	sadd.s32 s7, s10  }
0x3d: {  	s11 =	sor.u32 $0xC00, s9;
	s10 =	sadd.s32 s8, s10  }
0x3e: {  	[tilespmem:s11], [sflag:$0x1] =	stream.strided.gather [hbm4b:s10+s23], $0x400, s24, s23, $0x38;
	[tilespmem:$0x10000] =	vst v63  }
0x3f: {  	s11 =	rddreg [dreg:$0x7]  }
0x40: {  	s10 =	sadd.s32 s3, s11  }
0x41: {  	s10 =	sadd.s32 s5, s10  }
0x42: {  	s10 =	sadd.s32 s7, s10  }
0x43: {  	s11 =	sor.u32 $0x1000, s9;
	s10 =	sadd.s32 s8, s10  }
0x44: {  	[tilespmem:s11], [sflag:$0x1] =	stream.strided.gather [hbm4b:s10+s23], $0x400, s24, s23, $0x38;
	[tilespmem:$0x10000] =	vst v63  }
0x45: {  	s11 =	rddreg [dreg:$0x8]  }
0x46: {  	s10 =	sadd.s32 s3, s11  }
0x47: {  	s10 =	sadd.s32 s5, s10  }
0x48: {  	s10 =	sadd.s32 s7, s10  }
0x49: {  	s11 =	sor.u32 $0x1400, s9;
	s10 =	sadd.s32 s8, s10  }
0x4a: {  	[tilespmem:s11], [sflag:$0x1] =	stream.strided.gather [hbm4b:s10+s23], $0x400, s24, s23, $0x38;
	[tilespmem:$0x10000] =	vst v63  }
0x4b: {  	s11 =	sadd.s32 s3, s12  }
0x4c: {  	s10 =	sadd.s32 s5, s11  }
0x4d: {  	s10 =	sadd.s32 s7, s10  }
0x4e: {  	s11 =	sor.u32 $0x1800, s9;
	s10 =	sadd.s32 s8, s10  }
0x4f: {  	[tilespmem:s11], [sflag:$0x1] =	stream.strided.gather [hbm4b:s10+s23], $0x400, s24, s23, $0x38;
	[tilespmem:$0x10000] =	vst v63  }
0x50: {  	s11 =	sadd.s32 s3, s13  }
0x51: {  	s10 =	sadd.s32 s5, s11  }
0x52: {  	s10 =	sadd.s32 s7, s10  }
0x53: {  	s11 =	sor.u32 $0x1C00, s9;
	s10 =	sadd.s32 s8, s10  }
0x54: {  	[tilespmem:s11], [sflag:$0x1] =	stream.strided.gather [hbm4b:s10+s23], $0x400, s24, s23, $0x38;
	[tilespmem:$0x10000] =	vst v63  }
0x55: {  	s11 =	sadd.s32 s3, s14  }
0x56: {  	s10 =	sadd.s32 s5, s11  }
0x57: {  	s10 =	sadd.s32 s7, s10  }
0x58: {  	s11 =	sor.u32 $0x2000, s9;
	s10 =	sadd.s32 s8, s10  }
0x59: {  	[tilespmem:s11], [sflag:$0x1] =	stream.strided.gather [hbm4b:s10+s23], $0x400, s24, s23, $0x38;
	[tilespmem:$0x10000] =	vst v63  }
0x5a: {  	s11 =	sadd.s32 s3, s15  }
0x5b: {  	s10 =	sadd.s32 s5, s11  }
0x5c: {  	s10 =	sadd.s32 s7, s10  }
0x5d: {  	s11 =	sor.u32 $0x2400, s9;
	s10 =	sadd.s32 s8, s10  }
0x5e: {  	[tilespmem:s11], [sflag:$0x1] =	stream.strided.gather [hbm4b:s10+s23], $0x400, s24, s23, $0x38;
	[tilespmem:$0x10000] =	vst v63  }
0x5f: {  	s11 =	sadd.s32 s3, s16  }
0x60: {  	s10 =	sadd.s32 s5, s11  }
0x61: {  	s10 =	sadd.s32 s7, s10  }
0x62: {  	s11 =	sor.u32 $0x2800, s9;
	s10 =	sadd.s32 s8, s10  }
0x63: {  	[tilespmem:s11], [sflag:$0x1] =	stream.strided.gather [hbm4b:s10+s23], $0x400, s24, s23, $0x38;
	[tilespmem:$0x10000] =	vst v63  }
0x64: {  	s11 =	sadd.s32 s3, s17  }
0x65: {  	s10 =	sadd.s32 s5, s11  }
0x66: {  	s10 =	sadd.s32 s7, s10  }
0x67: {  	s11 =	sor.u32 $0x2C00, s9;
	s10 =	sadd.s32 s8, s10  }
0x68: {  	[tilespmem:s11], [sflag:$0x1] =	stream.strided.gather [hbm4b:s10+s23], $0x400, s24, s23, $0x38;
	[tilespmem:$0x10000] =	vst v63  }
0x69: {  	s11 =	sadd.s32 s3, s18  }
0x6a: {  	s10 =	sadd.s32 s5, s11  }
0x6b: {  	s10 =	sadd.s32 s7, s10  }
0x6c: {  	s11 =	sor.u32 $0x3000, s9;
	s10 =	sadd.s32 s8, s10  }
0x6d: {  	[tilespmem:s11], [sflag:$0x1] =	stream.strided.gather [hbm4b:s10+s23], $0x400, s24, s23, $0x38;
	[tilespmem:$0x10000] =	vst v63  }
0x6e: {  	s11 =	sadd.s32 s3, s19  }
0x6f: {  	s10 =	sadd.s32 s5, s11  }
0x70: {  	s10 =	sadd.s32 s7, s10  }
0x71: {  	s11 =	sor.u32 $0x3400, s9;
	s10 =	sadd.s32 s8, s10  }
0x72: {  	[tilespmem:s11], [sflag:$0x1] =	stream.strided.gather [hbm4b:s10+s23], $0x400, s24, s23, $0x38;
	[tilespmem:$0x10000] =	vst v63  }
0x73: {  	s11 =	sadd.s32 s3, s20  }
0x74: {  	s3 =	sadd.s32 s3, s21;
	s10 =	sadd.s32 s5, s11  }
0x75: {  	s3 =	sadd.s32 s5, s3;
	s10 =	sadd.s32 s7, s10  }
0x76: {  	s11 =	sor.u32 $0x3800, s9;
	s3 =	sadd.s32 s7, s3;
	s10 =	sadd.s32 s8, s10  }
0x77: {  	[tilespmem:s11], [sflag:$0x1] =	stream.strided.gather [hbm4b:s10+s23], $0x400, s24, s23, $0x38;
	[tilespmem:$0x10000] =	vst v63  }
0x78: {  	s3 =	sadd.s32 s8, s3;
	s11 =	sor.u32 $0x3C00, s9  }
0x79: {  	[tilespmem:s11], [sflag:$0x1] =	stream.strided.gather [hbm4b:s3+s23], $0x400, s24, s23, $0x38;
	[tilespmem:$0x10000] =	vst v63  }
.LBB1_3:
0x7a: {  	s3 =	sadd.s32 $0xFFFFFFFF, s30  }
0x7b: {  	p1 =	sge.u32 s3, s6  }
.Ltmp3:
0x7c: {  	_ = 	snop;
	(pc) =	sbr.rel @p1 .LBB1_9-.Ltmp3, $1  }
0x7d: {  	_ =	sdelay $0x3  }
0x7e: {  	s3 =	simm.s32 $0x1;
	_ =	swait.ge [sflag:s4], $0x4000  }
0x7f: {  	s11 =	sshll.u32 s30, $0xE;
	s8 =	simm.s32 $0x0;
	s3 =	simm.s32 @!p0 $0x0  }
0x80: {  	[sflag:s4] =	ssyncset.done $0x0;
	s5 =	sshll.u32 s3, $0xE;
	s3 =	sand.u32 $0x4000, s11  }
0x81: {  	[sflag:s4] =	ssyncadd.s32 $0xFFFFC000;
	s7 =	sor.u32 $0x8000, s5;
	s3 =	sor.u32 $0x8000, s3  }
.LBB1_5:
0x82: {  	v1 =	vmov s5;
	_ =	sdelay $0x3  }
0x83: {  	s9 =	simm.s32 $0x0  }
0x84: {  	v3 =	vld.idx.msk [tilespmem:v1+s9+$0x30 ss:$0x1], $0xffff  }
0x85: {  	v0 =	vmov s7;
	v4 =	vld.idx.msk [tilespmem:v1+s9+$0x0 ss:$0x1], $0xffff  }
0x86: {  	v2 =	vld.idx.msk [tilespmem:v1+s9+$0x10 ss:$0x1], $0xffff  }
0x87: {  	s10 =	simm.s32 $0x100;
	v5 =	vld.idx.msk [tilespmem:v1+s9+$0x20 ss:$0x1], $0xffff  }
.LBB1_6:
0x88: {  	p1 =	sne.s32 s10, $0xF00  }
.Ltmp4:
0x89: {  	s11 =	sshra.s32 s10, $0x2;
	s10 =	sadd.s32 $0x100, s10;
	(pc) =	sbr.rel @p1 .LBB1_6-.Ltmp4, $4  }
0x8a: {  	[tilespmem:v0+s9+$0x30 ss:$0x1] =	vst.idx.msk $0xffff, v3;
	v3 =	vld.idx.msk [tilespmem:v1+s11+$0x30 ss:$0x1], $0xffff  }
0x8b: {  	[tilespmem:v0+s9+$0x0 ss:$0x1] =	vst.idx.msk $0xffff, v4;
	v4 =	vld.idx.msk [tilespmem:v1+s11+$0x0 ss:$0x1], $0xffff  }
0x8c: {  	[tilespmem:v0+s9+$0x10 ss:$0x1] =	vst.idx.msk $0xffff, v2;
	v2 =	vld.idx.msk [tilespmem:v1+s11+$0x10 ss:$0x1], $0xffff  }
0x8d: {  	[tilespmem:v0+s9+$0x20 ss:$0x1] =	vst.idx.msk $0xffff, v5;
	v5 =	vld.idx.msk [tilespmem:v1+s11+$0x20 ss:$0x1], $0xffff;
	s9 =	smov.u32 s11  }
0x8e: {  	_ = 	snop  }
0x8f: {  	s8 =	sadd.s32 $0x1, s8  }
0x90: {  	p1 =	sne.s32 s8, $0x10  }
.Ltmp5:
0x91: {  	_ = 	snop;
	(pc) =	sbr.rel @p1 .LBB1_5-.Ltmp5, $4  }
0x92: {  	[tilespmem:v0+s9+$0x30 ss:$0x1] =	vst.idx.msk $0xffff, v3  }
0x93: {  	[tilespmem:v0+s9+$0x0 ss:$0x1] =	vst.idx.msk $0xffff, v4  }
0x94: {  	[tilespmem:v0+s9+$0x10 ss:$0x1] =	vst.idx.msk $0xffff, v2  }
0x95: {  	s5 =	sadd.s32 $0x400, s5;
	s7 =	sadd.s32 $0x400, s7;
	[tilespmem:v0+s9+$0x20 ss:$0x1] =	vst.idx.msk $0xffff, v5  }
0x96: {  	s5 =	smul.u32 $0x2A000, s25  }
0x97: {  	s0 =	sshll.u32 s0, $0x8;
	s1 =	smul.u32 $0xE00, s1;
	s7 =	rddreg [dreg:$0x3]  }
.Ltmp6:
0x98: {  	s0 =	sadd.s32 s7, s0;
	(pc) =	sbr.rel .LBB1_9-.Ltmp6, $4  }
0x99: {  	s11 =	sshll.u32 s31, $0x4;
	s0 =	sadd.s32 s5, s0  }
0x9a: {  	s25 =	sand.u32 $0xF0, s11;
	s0 =	sadd.s32 s1, s0  }
0x9b: {  	s31 =	simm.s32 $0x15000;
	s0 =	sadd.s32 s25, s0  }
0x9c: {  	[hbm4b:s0+s23] =	stream.strided.scatter [tilespmem:s3], [sflag:$0x2], $0x4000, s31, s23, $0x38;
	[tilespmem:$0x10000] =	vst v63  }
.LBB1_10:
0x9d: {  	_ =	sfence.sel $0x180000  }
0x9e: {  	s0 =	simm.s32 $0x1;
	[bflag:$0x0] =	sbarrier.arrive $0xFFFF  }
0x9f: {  	s30 =	simm.s32 $0x2;
	[sflag:s0] =	ssyncpa.u1 $0x1  }
0xa0: {  	[sflag:s30] =	ssyncpa.u1 $0x1  }
0xa1: {  	_ =	strace $0x90000047  }
0xa2: {  	s31 =	stileid.u32;
	[bflag:$0x2] =	sbarrier.arrive $0xFFFF  }
0xa3: {  	p0 =	sne.s32 s31, $0x0;
	s0 =	rddreg [dreg:$0x1]  }
0xa4: {  	s0 =	sadd.s32 @!p0 $0x100000, s0  }
0xa5: {  	[sflag:s0] =	ssyncadd.tile.s32 @!p0 $0x1;
	_ =	shalt  }
.Lfunc_end1:
_tile_overlayer_lowered:
.L_overlay_start_2:
0xa6: {  	(tag) =	ssettag $0x2  }
0xa7: {  	s0 =	rddreg [dreg:$0x0];
	s2 =	stileid.u32  }
0xa8: {  	s1 =	rddreg [dreg:$0x1];
	p0 =	sne.s32 s2, $0x0  }
0xa9: {  	s3 =	rddreg [dreg:$0x2];
	[bflag:$0x3] =	sbarrier.arrive $0xFFFF;
	s2 =	simm.s32 @!p0 $0x1C01  }
0xaa: {  	[timem:s3], [sflag:s2] =	dma.local @!p0 [hbm:s0], s1  }
0xab: {  	s0 =	simm.s32 @!p0 $0x1  }
0xac: {  	_ =	swait.ge @!p0 [sflag:s0], s1  }
0xad: {  	s1 =	ssub.s32 @!p0 $0x0, s1;
	[sflag:s0] =	ssyncset.done @!p0 $0x0  }
0xae: {  	[sflag:s0] =	ssyncadd.s32 @!p0 s1  }
0xaf: {  	[bflag:$0x3] =	sbarrier.arrive $0xFFFF  }
0xb0: {  	_ =	shalt  }

</sc_bundles>
